<compile_context>
chip_gen: v7x
topology: tpu7x:2x2x1
jax: 0.10.2.dev20260603
libtpu: 0.0.44.dev20260713+nightly
codegen_flags: <defaults>
</compile_context>

<pallas_src>
import functools

import jax
import jax.numpy as jnp
from jax import lax
from jax.experimental import pallas as pl
from jax.experimental.pallas import tpu as pltpu
from jax.experimental.pallas import tpu_sc as plsc

_D = 128
_NC = 2
_NS = 16
_NW = _NC * _NS
_NB = 7


@jax.jit
def _flat_gather(idx_t, table):
    nch, n_samp = idx_t.shape
    cb = n_samp // _NW
    mesh = plsc.VectorSubcoreMesh(core_axis_name="c", subcore_axis_name="s")

    @functools.partial(
        pl.kernel,
        out_type=jax.ShapeDtypeStruct((nch * n_samp, _D), jnp.float32),
        mesh=mesh,
        scratch_types=[
            pltpu.VMEM((nch, cb), jnp.int32),
            pltpu.VMEM((_NB, cb, _D), jnp.float32),
            pltpu.SemaphoreType.DMA,
            pltpu.SemaphoreType.DMA,
        ],
    )
    def run(idx_hbm, table_hbm, out_hbm, idx_v, rows_v, gsem, osem):
        wid = lax.axis_index("s") * _NC + lax.axis_index("c")
        col0 = wid * cb
        pltpu.sync_copy(idx_hbm.at[:, pl.ds(col0, cb)], idx_v)

        def g_copy(ch, b):
            return pltpu.make_async_copy(
                table_hbm.at[idx_v.at[ch]], rows_v.at[b], gsem
            )

        def o_copy(ch, b):
            return pltpu.make_async_copy(
                rows_v.at[b], out_hbm.at[pl.ds(ch * n_samp + col0, cb)], osem
            )

        g_copy(0, 0).start()
        g_copy(1, 1).start()
        g_copy(2, 2).start()

        @pl.loop(0, nch)
        def chunk_loop(ch):
            b = lax.rem(ch, _NB)
            g_copy(ch, b).wait()
            o_copy(ch, b).start()

            @pl.when(ch + 3 < nch)
            def _():
                @pl.when(ch >= _NB - 3)
                def _():
                    o_copy(ch - _NB + 3, lax.rem(ch + 3, _NB)).wait()

                g_copy(ch + 3, lax.rem(ch + 3, _NB)).start()

        @pl.loop(nch - _NB, nch)
        def drain(k):
            o_copy(k, lax.rem(k, _NB)).wait()

    return run(idx_t, table)


def kernel(x, embedding):
    n_samp, width = x.shape
    idx_t = jnp.swapaxes(x, 0, 1).astype(jnp.int32)
    out = _flat_gather(idx_t, embedding)
    return out.reshape(width, n_samp, _D).swapaxes(0, 1)

# --- scband reference (transcript-rebuilt; emitter-appended) ---
"""Pipeline reference for scband-embedding-73821897883839 (READ-ONLY COPY).

The authoritative reference and input builder live on the scoring server;
editing this copy changes nothing except your own understanding.
"""

import jax, jax.numpy as jnp
import numpy as np

VOCAB_SIZE = 100000
EMBEDDING_DIM = 128

def setup_inputs(seed: int = 0) -> dict:
    key = jax.random.key(seed)
    k_idx, k_emb = jax.random.split(key)
    x = jax.random.randint(k_idx, (4096, 50), 0, VOCAB_SIZE, dtype=jnp.int64 if jax.config.jax_enable_x64 else jnp.int32)
    embedding = jax.random.uniform(k_emb, (VOCAB_SIZE, EMBEDDING_DIM), dtype=jnp.float32, minval=-0.1, maxval=0.1)
    return {"x": x, "embedding": embedding}

def reference(x, embedding):
    # tf.nn.embedding_lookup(embedding, x) -> gather rows of table by indices
    return jnp.take(embedding, x, axis=0)

if __name__ == "__main__":
    import jax
    _d = setup_inputs()
    print(jax.jit(kernel)(*tuple(_d.values())))

</pallas_src>

<mosaic_0001>
#map = affine_map<(d0, d1) -> (0, 0)>
module attributes {stable_mosaic.version = 14 : i64} {
  func.func @run(%arg0: i32, %arg1: i32, %arg2: memref<50x4096xi32, #tpu.memory_space<hbm>>, %arg3: memref<100000x128xf32, #tpu.memory_space<hbm>>, %arg4: memref<204800x128xf32, #tpu.memory_space<hbm>>, %arg5: memref<50x128xi32, #tpu.memory_space<vmem>>, %arg6: memref<7x128x128xf32, #tpu.memory_space<vmem>>, %arg7: memref<!tpu.dma_semaphore, #tpu.memory_space<semaphore_mem>>, %arg8: memref<!tpu.dma_semaphore, #tpu.memory_space<semaphore_mem>>) attributes {dimension_semantics = [#tpu.dimension_semantics<core_parallel>, #tpu.dimension_semantics<subcore_parallel>], iteration_bounds = array<i64: 2, 16>, scalar_prefetch = 0 : i64, scratch_operands = 4 : i64, tpu.core_type = #tpu.core_type<sc_vector_subcore>, window_params = [{transform_indices = #map}, {transform_indices = #map}, {transform_indices = #map}]} {
    %mul3A = arith.constant 2 : i32
    %mul3A_0 = arith.muli %arg1, %mul3A : i32
    %add3A = arith.addi %mul3A_0, %arg0 : i32
    %mul3A_1 = arith.constant 128 : i32
    %mul3A_2 = arith.muli %add3A, %mul3A_1 : i32
    "tpu.region"() ({
      %run_scoped3A = tpu.sem_alloc : memref<!tpu.dma_semaphore, #tpu.memory_space<semaphore_mem>>
      %dma_start3A_47 = arith.constant 0 : i32
      %dma_start3A_48 = tpu.memref_slice %arg2[%dma_start3A_47, %mul3A_2] : memref<50x4096xi32, #tpu.memory_space<hbm>> -> memref<50x128xi32, #tpu.memory_space<hbm>>
      %dma_start3A_49 = arith.constant 0 : i32
      %dma_start3A_50 = tpu.memref_slice %arg2[%dma_start3A_49, %mul3A_2] : memref<50x4096xi32, #tpu.memory_space<hbm>> -> memref<50x128xi32, #tpu.memory_space<hbm>>
      tpu.enqueue_dma source(%dma_start3A_50 : memref<50x128xi32, #tpu.memory_space<hbm>>) target(%arg5 : memref<50x128xi32, #tpu.memory_space<vmem>>) target_semaphore(%run_scoped3A : memref<!tpu.dma_semaphore, #tpu.memory_space<semaphore_mem>>)
      %dma_wait3A = arith.constant 0 : i32
      %dma_wait3A_51 = tpu.memref_slice %arg2[%dma_wait3A, %mul3A_2] : memref<50x4096xi32, #tpu.memory_space<hbm>> -> memref<50x128xi32, #tpu.memory_space<hbm>>
      %dma_wait3A_52 = arith.constant 0 : i32
      %dma_wait3A_53 = tpu.memref_slice %arg2[%dma_wait3A_52, %mul3A_2] : memref<50x4096xi32, #tpu.memory_space<hbm>> -> memref<50x128xi32, #tpu.memory_space<hbm>>
      tpu.wait_dma2 semaphore(%run_scoped3A : memref<!tpu.dma_semaphore, #tpu.memory_space<semaphore_mem>>) src(%dma_wait3A_53 : memref<50x128xi32, #tpu.memory_space<hbm>>) dst(%arg5 : memref<50x128xi32, #tpu.memory_space<vmem>>)
      tpu.yield
    }) : () -> ()
    %dma_start3A = arith.constant 0 : i32
    %dma_start3A_3 = arith.constant 0 : i32
    %dma_start3A_4 = arith.constant 0 : i32
    %dma_start3A_5 = arith.constant 0 : i32
    %dma_start3A_6 = tpu.memref_slice %arg6[%dma_start3A_3, %dma_start3A_4, %dma_start3A_5] : memref<7x128x128xf32, #tpu.memory_space<vmem>> -> memref<1x128x128xf32, #tpu.memory_space<vmem>>
    %dma_start3A_7 = tpu.memref_squeeze %dma_start3A_6 : memref<1x128x128xf32, #tpu.memory_space<vmem>> -> memref<128x128xf32, #tpu.memory_space<vmem>>
    %dma_start3A_8 = arith.constant 0 : i32
    %dma_start3A_9 = tpu.memref_slice %arg5[%dma_start3A, %dma_start3A_8] : memref<50x128xi32, #tpu.memory_space<vmem>> -> memref<1x128xi32, #tpu.memory_space<vmem>>
    %dma_start3A_10 = tpu.memref_squeeze %dma_start3A_9 : memref<1x128xi32, #tpu.memory_space<vmem>> -> memref<128xi32, #tpu.memory_space<vmem>>
    %dma_start3A_11 = arith.constant 0 : i32
    %dma_start3A_12 = arith.constant 0 : i32
    %dma_start3A_13 = tpu.memref_slice %arg3[%dma_start3A_11, %dma_start3A_12] : memref<100000x128xf32, #tpu.memory_space<hbm>> -> memref<100000x128xf32, #tpu.memory_space<hbm>>
    tpu.enqueue_indirect_dma source(%dma_start3A_13 : memref<100000x128xf32, #tpu.memory_space<hbm>>) target(%dma_start3A_7 : memref<128x128xf32, #tpu.memory_space<vmem>>) offsets(%dma_start3A_10 : memref<128xi32, #tpu.memory_space<vmem>>) semaphore(%arg7 : memref<!tpu.dma_semaphore, #tpu.memory_space<semaphore_mem>>)
    %dma_start3A_14 = arith.constant 1 : i32
    %dma_start3A_15 = arith.constant 1 : i32
    %dma_start3A_16 = arith.constant 0 : i32
    %dma_start3A_17 = arith.constant 0 : i32
    %dma_start3A_18 = tpu.memref_slice %arg6[%dma_start3A_15, %dma_start3A_16, %dma_start3A_17] : memref<7x128x128xf32, #tpu.memory_space<vmem>> -> memref<1x128x128xf32, #tpu.memory_space<vmem>>
    %dma_start3A_19 = tpu.memref_squeeze %dma_start3A_18 : memref<1x128x128xf32, #tpu.memory_space<vmem>> -> memref<128x128xf32, #tpu.memory_space<vmem>>
    %dma_start3A_20 = arith.constant 0 : i32
    %dma_start3A_21 = tpu.memref_slice %arg5[%dma_start3A_14, %dma_start3A_20] : memref<50x128xi32, #tpu.memory_space<vmem>> -> memref<1x128xi32, #tpu.memory_space<vmem>>
    %dma_start3A_22 = tpu.memref_squeeze %dma_start3A_21 : memref<1x128xi32, #tpu.memory_space<vmem>> -> memref<128xi32, #tpu.memory_space<vmem>>
    %dma_start3A_23 = arith.constant 0 : i32
    %dma_start3A_24 = arith.constant 0 : i32
    %dma_start3A_25 = tpu.memref_slice %arg3[%dma_start3A_23, %dma_start3A_24] : memref<100000x128xf32, #tpu.memory_space<hbm>> -> memref<100000x128xf32, #tpu.memory_space<hbm>>
    tpu.enqueue_indirect_dma source(%dma_start3A_25 : memref<100000x128xf32, #tpu.memory_space<hbm>>) target(%dma_start3A_19 : memref<128x128xf32, #tpu.memory_space<vmem>>) offsets(%dma_start3A_22 : memref<128xi32, #tpu.memory_space<vmem>>) semaphore(%arg7 : memref<!tpu.dma_semaphore, #tpu.memory_space<semaphore_mem>>)
    %dma_start3A_26 = arith.constant 2 : i32
    %dma_start3A_27 = arith.constant 2 : i32
    %dma_start3A_28 = arith.constant 0 : i32
    %dma_start3A_29 = arith.constant 0 : i32
    %dma_start3A_30 = tpu.memref_slice %arg6[%dma_start3A_27, %dma_start3A_28, %dma_start3A_29] : memref<7x128x128xf32, #tpu.memory_space<vmem>> -> memref<1x128x128xf32, #tpu.memory_space<vmem>>
    %dma_start3A_31 = tpu.memref_squeeze %dma_start3A_30 : memref<1x128x128xf32, #tpu.memory_space<vmem>> -> memref<128x128xf32, #tpu.memory_space<vmem>>
    %dma_start3A_32 = arith.constant 0 : i32
    %dma_start3A_33 = tpu.memref_slice %arg5[%dma_start3A_26, %dma_start3A_32] : memref<50x128xi32, #tpu.memory_space<vmem>> -> memref<1x128xi32, #tpu.memory_space<vmem>>
    %dma_start3A_34 = tpu.memref_squeeze %dma_start3A_33 : memref<1x128xi32, #tpu.memory_space<vmem>> -> memref<128xi32, #tpu.memory_space<vmem>>
    %dma_start3A_35 = arith.constant 0 : i32
    %dma_start3A_36 = arith.constant 0 : i32
    %dma_start3A_37 = tpu.memref_slice %arg3[%dma_start3A_35, %dma_start3A_36] : memref<100000x128xf32, #tpu.memory_space<hbm>> -> memref<100000x128xf32, #tpu.memory_space<hbm>>
    tpu.enqueue_indirect_dma source(%dma_start3A_37 : memref<100000x128xf32, #tpu.memory_space<hbm>>) target(%dma_start3A_31 : memref<128x128xf32, #tpu.memory_space<vmem>>) offsets(%dma_start3A_34 : memref<128xi32, #tpu.memory_space<vmem>>) semaphore(%arg7 : memref<!tpu.dma_semaphore, #tpu.memory_space<semaphore_mem>>)
    %scan3A = arith.constant 0 : i32
    %scan3A_38 = arith.constant 50 : i32
    %scan3A_39 = arith.addi %scan3A, %scan3A_38 : i32
    %scan3A_40 = arith.constant 1 : i32
    scf.for %scan3A_47 = %scan3A to %scan3A_39 step %scan3A_40  : i32 {
      %mul3A_48 = arith.constant 1 : i32
      %mul3A_49 = arith.muli %scan3A_47, %mul3A_48 : i32
      %add3A_50 = arith.constant 0 : i32
      %add3A_51 = arith.addi %add3A_50, %mul3A_49 : i32
      %rem3A = arith.constant 7 : i32
      %rem3A_52 = arith.remsi %add3A_51, %rem3A : i32
      %dma_wait3A = arith.constant 0 : i32
      %dma_wait3A_53 = arith.constant 0 : i32
      %dma_wait3A_54 = tpu.memref_slice %arg6[%rem3A_52, %dma_wait3A, %dma_wait3A_53] : memref<7x128x128xf32, #tpu.memory_space<vmem>> -> memref<1x128x128xf32, #tpu.memory_space<vmem>>
      %dma_wait3A_55 = tpu.memref_squeeze %dma_wait3A_54 : memref<1x128x128xf32, #tpu.memory_space<vmem>> -> memref<128x128xf32, #tpu.memory_space<vmem>>
      %dma_wait3A_56 = arith.constant 0 : i32
      %dma_wait3A_57 = tpu.memref_slice %arg5[%add3A_51, %dma_wait3A_56] : memref<50x128xi32, #tpu.memory_space<vmem>> -> memref<1x128xi32, #tpu.memory_space<vmem>>
      %dma_wait3A_58 = tpu.memref_squeeze %dma_wait3A_57 : memref<1x128xi32, #tpu.memory_space<vmem>> -> memref<128xi32, #tpu.memory_space<vmem>>
      %dma_wait3A_59 = arith.constant 0 : i32
      %dma_wait3A_60 = arith.constant 0 : i32
      %dma_wait3A_61 = tpu.memref_slice %arg3[%dma_wait3A_59, %dma_wait3A_60] : memref<100000x128xf32, #tpu.memory_space<hbm>> -> memref<100000x128xf32, #tpu.memory_space<hbm>>
      tpu.wait_indirect_dma semaphore(%arg7 : memref<!tpu.dma_semaphore, #tpu.memory_space<semaphore_mem>>) src(%dma_wait3A_61 : memref<100000x128xf32, #tpu.memory_space<hbm>>) dst(%dma_wait3A_55 : memref<128x128xf32, #tpu.memory_space<vmem>>)
      %mul3A_62 = arith.constant 4096 : i32
      %mul3A_63 = arith.muli %add3A_51, %mul3A_62 : i32
      %add3A_64 = arith.addi %mul3A_63, %mul3A_2 : i32
      %dma_start3A_65 = arith.constant 0 : i32
      %dma_start3A_66 = arith.constant 0 : i32
      %dma_start3A_67 = tpu.memref_slice %arg6[%rem3A_52, %dma_start3A_65, %dma_start3A_66] : memref<7x128x128xf32, #tpu.memory_space<vmem>> -> memref<1x128x128xf32, #tpu.memory_space<vmem>>
      %dma_start3A_68 = tpu.memref_squeeze %dma_start3A_67 : memref<1x128x128xf32, #tpu.memory_space<vmem>> -> memref<128x128xf32, #tpu.memory_space<vmem>>
      %dma_start3A_69 = arith.constant 0 : i32
      %dma_start3A_70 = tpu.memref_slice %arg4[%add3A_64, %dma_start3A_69] : memref<204800x128xf32, #tpu.memory_space<hbm>> -> memref<128x128xf32, #tpu.memory_space<hbm>>
      %dma_start3A_71 = arith.constant 0 : i32
      %dma_start3A_72 = tpu.memref_slice %arg4[%add3A_64, %dma_start3A_71] : memref<204800x128xf32, #tpu.memory_space<hbm>> -> memref<128x128xf32, #tpu.memory_space<hbm>>
      %dma_start3A_73 = arith.constant 0 : i32
      %dma_start3A_74 = arith.constant 0 : i32
      %dma_start3A_75 = tpu.memref_slice %arg6[%rem3A_52, %dma_start3A_73, %dma_start3A_74] : memref<7x128x128xf32, #tpu.memory_space<vmem>> -> memref<1x128x128xf32, #tpu.memory_space<vmem>>
      %dma_start3A_76 = tpu.memref_squeeze %dma_start3A_75 : memref<1x128x128xf32, #tpu.memory_space<vmem>> -> memref<128x128xf32, #tpu.memory_space<vmem>>
      tpu.enqueue_dma source(%dma_start3A_76 : memref<128x128xf32, #tpu.memory_space<vmem>>) target(%dma_start3A_72 : memref<128x128xf32, #tpu.memory_space<hbm>>) target_semaphore(%arg8 : memref<!tpu.dma_semaphore, #tpu.memory_space<semaphore_mem>>)
      %add3A_77 = arith.constant 3 : i32
      %add3A_78 = arith.addi %add3A_51, %add3A_77 : i32
      %lt3A = arith.constant 50 : i32
      %lt3A_79 = arith.cmpi slt, %add3A_78, %lt3A : i32
      %convert_element_type3A = arith.extui %lt3A_79 : i1 to i32
      %cond3A = arith.constant 0 : i32
      %cond3A_80 = arith.cmpi ne, %convert_element_type3A, %cond3A : i32
      scf.if %cond3A_80 {
        %ge3A = arith.constant 4 : i32
        %ge3A_81 = arith.cmpi sge, %add3A_51, %ge3A : i32
        %convert_element_type3A_82 = arith.extui %ge3A_81 : i1 to i32
        %cond3A_83 = arith.constant 0 : i32
        %cond3A_84 = arith.cmpi ne, %convert_element_type3A_82, %cond3A_83 : i32
        scf.if %cond3A_84 {
          %sub3A = arith.constant 7 : i32
          %sub3A_101 = arith.subi %add3A_51, %sub3A : i32
          %add3A_102 = arith.constant 3 : i32
          %add3A_103 = arith.addi %sub3A_101, %add3A_102 : i32
          %add3A_104 = arith.constant 3 : i32
          %add3A_105 = arith.addi %add3A_51, %add3A_104 : i32
          %rem3A_106 = arith.constant 7 : i32
          %rem3A_107 = arith.remsi %add3A_105, %rem3A_106 : i32
          %mul3A_108 = arith.constant 4096 : i32
          %mul3A_109 = arith.muli %add3A_103, %mul3A_108 : i32
          %add3A_110 = arith.addi %mul3A_109, %mul3A_2 : i32
          %dma_wait3A_111 = arith.constant 0 : i32
          %dma_wait3A_112 = arith.constant 0 : i32
          %dma_wait3A_113 = tpu.memref_slice %arg6[%rem3A_107, %dma_wait3A_111, %dma_wait3A_112] : memref<7x128x128xf32, #tpu.memory_space<vmem>> -> memref<1x128x128xf32, #tpu.memory_space<vmem>>
          %dma_wait3A_114 = tpu.memref_squeeze %dma_wait3A_113 : memref<1x128x128xf32, #tpu.memory_space<vmem>> -> memref<128x128xf32, #tpu.memory_space<vmem>>
          %dma_wait3A_115 = arith.constant 0 : i32
          %dma_wait3A_116 = tpu.memref_slice %arg4[%add3A_110, %dma_wait3A_115] : memref<204800x128xf32, #tpu.memory_space<hbm>> -> memref<128x128xf32, #tpu.memory_space<hbm>>
          %dma_wait3A_117 = arith.constant 0 : i32
          %dma_wait3A_118 = tpu.memref_slice %arg4[%add3A_110, %dma_wait3A_117] : memref<204800x128xf32, #tpu.memory_space<hbm>> -> memref<128x128xf32, #tpu.memory_space<hbm>>
          %dma_wait3A_119 = arith.constant 0 : i32
          %dma_wait3A_120 = arith.constant 0 : i32
          %dma_wait3A_121 = tpu.memref_slice %arg6[%rem3A_107, %dma_wait3A_119, %dma_wait3A_120] : memref<7x128x128xf32, #tpu.memory_space<vmem>> -> memref<1x128x128xf32, #tpu.memory_space<vmem>>
          %dma_wait3A_122 = tpu.memref_squeeze %dma_wait3A_121 : memref<1x128x128xf32, #tpu.memory_space<vmem>> -> memref<128x128xf32, #tpu.memory_space<vmem>>
          tpu.wait_dma2 semaphore(%arg8 : memref<!tpu.dma_semaphore, #tpu.memory_space<semaphore_mem>>) src(%dma_wait3A_122 : memref<128x128xf32, #tpu.memory_space<vmem>>) dst(%dma_wait3A_118 : memref<128x128xf32, #tpu.memory_space<hbm>>)
        } else {
        }
        %add3A_85 = arith.constant 3 : i32
        %add3A_86 = arith.addi %add3A_51, %add3A_85 : i32
        %add3A_87 = arith.constant 3 : i32
        %add3A_88 = arith.addi %add3A_51, %add3A_87 : i32
        %rem3A_89 = arith.constant 7 : i32
        %rem3A_90 = arith.remsi %add3A_88, %rem3A_89 : i32
        %dma_start3A_91 = arith.constant 0 : i32
        %dma_start3A_92 = arith.constant 0 : i32
        %dma_start3A_93 = tpu.memref_slice %arg6[%rem3A_90, %dma_start3A_91, %dma_start3A_92] : memref<7x128x128xf32, #tpu.memory_space<vmem>> -> memref<1x128x128xf32, #tpu.memory_space<vmem>>
        %dma_start3A_94 = tpu.memref_squeeze %dma_start3A_93 : memref<1x128x128xf32, #tpu.memory_space<vmem>> -> memref<128x128xf32, #tpu.memory_space<vmem>>
        %dma_start3A_95 = arith.constant 0 : i32
        %dma_start3A_96 = tpu.memref_slice %arg5[%add3A_86, %dma_start3A_95] : memref<50x128xi32, #tpu.memory_space<vmem>> -> memref<1x128xi32, #tpu.memory_space<vmem>>
        %dma_start3A_97 = tpu.memref_squeeze %dma_start3A_96 : memref<1x128xi32, #tpu.memory_space<vmem>> -> memref<128xi32, #tpu.memory_space<vmem>>
        %dma_start3A_98 = arith.constant 0 : i32
        %dma_start3A_99 = arith.constant 0 : i32
        %dma_start3A_100 = tpu.memref_slice %arg3[%dma_start3A_98, %dma_start3A_99] : memref<100000x128xf32, #tpu.memory_space<hbm>> -> memref<100000x128xf32, #tpu.memory_space<hbm>>
        tpu.enqueue_indirect_dma source(%dma_start3A_100 : memref<100000x128xf32, #tpu.memory_space<hbm>>) target(%dma_start3A_94 : memref<128x128xf32, #tpu.memory_space<vmem>>) offsets(%dma_start3A_97 : memref<128xi32, #tpu.memory_space<vmem>>) semaphore(%arg7 : memref<!tpu.dma_semaphore, #tpu.memory_space<semaphore_mem>>)
      } else {
      }
    }
    %scan3A_41 = arith.constant 50 : i32
    %scan3A_42 = arith.constant 0 : i32
    %scan3A_43 = arith.constant 7 : i32
    %scan3A_44 = arith.addi %scan3A_42, %scan3A_43 : i32
    %scan3A_45 = arith.constant 1 : i32
    scf.for %scan3A_47 = %scan3A_42 to %scan3A_44 step %scan3A_45  : i32 {
      %mul3A_48 = arith.constant 1 : i32
      %mul3A_49 = arith.muli %scan3A_47, %mul3A_48 : i32
      %add3A_50 = arith.constant 43 : i32
      %add3A_51 = arith.addi %add3A_50, %mul3A_49 : i32
      %rem3A = arith.constant 7 : i32
      %rem3A_52 = arith.remsi %add3A_51, %rem3A : i32
      %mul3A_53 = arith.constant 4096 : i32
      %mul3A_54 = arith.muli %add3A_51, %mul3A_53 : i32
      %add3A_55 = arith.addi %mul3A_54, %mul3A_2 : i32
      %dma_wait3A = arith.constant 0 : i32
      %dma_wait3A_56 = arith.constant 0 : i32
      %dma_wait3A_57 = tpu.memref_slice %arg6[%rem3A_52, %dma_wait3A, %dma_wait3A_56] : memref<7x128x128xf32, #tpu.memory_space<vmem>> -> memref<1x128x128xf32, #tpu.memory_space<vmem>>
      %dma_wait3A_58 = tpu.memref_squeeze %dma_wait3A_57 : memref<1x128x128xf32, #tpu.memory_space<vmem>> -> memref<128x128xf32, #tpu.memory_space<vmem>>
      %dma_wait3A_59 = arith.constant 0 : i32
      %dma_wait3A_60 = tpu.memref_slice %arg4[%add3A_55, %dma_wait3A_59] : memref<204800x128xf32, #tpu.memory_space<hbm>> -> memref<128x128xf32, #tpu.memory_space<hbm>>
      %dma_wait3A_61 = arith.constant 0 : i32
      %dma_wait3A_62 = tpu.memref_slice %arg4[%add3A_55, %dma_wait3A_61] : memref<204800x128xf32, #tpu.memory_space<hbm>> -> memref<128x128xf32, #tpu.memory_space<hbm>>
      %dma_wait3A_63 = arith.constant 0 : i32
      %dma_wait3A_64 = arith.constant 0 : i32
      %dma_wait3A_65 = tpu.memref_slice %arg6[%rem3A_52, %dma_wait3A_63, %dma_wait3A_64] : memref<7x128x128xf32, #tpu.memory_space<vmem>> -> memref<1x128x128xf32, #tpu.memory_space<vmem>>
      %dma_wait3A_66 = tpu.memref_squeeze %dma_wait3A_65 : memref<1x128x128xf32, #tpu.memory_space<vmem>> -> memref<128x128xf32, #tpu.memory_space<vmem>>
      tpu.wait_dma2 semaphore(%arg8 : memref<!tpu.dma_semaphore, #tpu.memory_space<semaphore_mem>>) src(%dma_wait3A_66 : memref<128x128xf32, #tpu.memory_space<vmem>>) dst(%dma_wait3A_62 : memref<128x128xf32, #tpu.memory_space<hbm>>)
    }
    %scan3A_46 = arith.constant 7 : i32
    return
  }
}

</mosaic_0001>

<sc_bundles>
// kernel: _flat_gather.3.cloned.1.call-start
scs
__scs_entry_jumppad:
0x0: {  	(pc) =	sbr.rel $0x88, $3  }
0x1: {  	(tag) =	ssettag $0x0;
	lr =	simm.s32 $0x1  }
0x2: {  	[smem:$0x3F9F] =	sst lr;
	_ =	strace $0xD0000000  }
0x3: {  	_ = 	snop  }
0x4: {  	_ = 	snop  }
0x5: {  	_ = 	snop  }
0x6: {  	_ = 	snop  }
0x7: {  	_ = 	snop  }
__scs_overlays_trampoline_lowered:
0x8: {  	[smem:$0x3FAE] =	sst s0  }
0x9: {  	[smem:$0x3FAF] =	sst s1  }
0xa: {  	[smem:$0x3FB0] =	sst s2  }
0xb: {  	[smem:$0x3FB1] =	sst s3  }
0xc: {  	[smem:$0x3FB2] =	sst s4  }
0xd: {  	[smem:$0x3FB3] =	sst s5  }
0xe: {  	[smem:$0x3FB4] =	sst s6  }
0xf: {  	[smem:$0x3FB5] =	sst s7  }
0x10: {  	[smem:$0x3FB6] =	sst s8  }
0x11: {  	[smem:$0x3FB7] =	sst s9;
	s0 =	simm.s32 @!p0 $0x0  }
0x12: {  	s1 =	sld [smem:$0x3F9D];
	s0 =	simm.s32 @p0 $0x1  }
0x13: {  	[smem:$0x3FB8] =	sst s0;
	s0 =	simm.s32 @!p1 $0x0  }
0x14: {  	s2 =	sld [smem:$0x3F9C];
	s0 =	simm.s32 @p1 $0x1  }
0x15: {  	[smem:$0x3FB9] =	sst s0;
	s0 =	simm.s32 @!p2 $0x0  }
0x16: {  	s3 =	sld [smem:$0x3FDB];
	s0 =	simm.s32 @p2 $0x1  }
0x17: {  	s4 =	simm.s32 $0x1BF5;
	[smem:$0x3FBB] =	sst s0  }
0x18: {  	s0 =	sld [smem:$0x3F9E];
	_ =	swait.ge [sflag:s4], $0x0  }
0x19: {  	s7 =	sld [smem:$0x3F9F]  }
0x1a: {  	s8 =	sadd.s32 $0xFFFFE003, lr  }
0x1b: {  	s9 =	sadd.s32 $0xFFFFFEF7, lr;
	s5 =	simm.s32 $0xFFFFFFFF;
	p2 =	slt.u32 s8, $0xFFFFF086  }
0x1c: {  	p1 =	slt.u32 s9, $0xF7A;
	s5 =	simm.s32 @!p2 $0x0  }
0x1d: {  	s5 =	simm.s32 @p1 $0x1;
	p0 =	seq.s32 s7, s2  }
0x1e: {  	s7 =	smul.u32 @!p0 $0xF7A, s2;
	p2 =	seq.s32 @!p0 s5, $0x0  }
0x1f: {  	s9 =	smul.u32 $0xF7A, s1;
	s8 =	simm.s32 @!p0 $0x1BF5;
	p2 =	por !p2, p0  }
0x20: {  	[sflag:s8] =	ssyncset.s32 @!p0 $0xFFFFF086;
	s6 =	sadd.s32 @!p0 s3, s7;
	s7 =	simm.s32 @!p0 $0x108  }
0x21: {  	s3 =	sadd.s32 s3, s9;
	s6 =	sadd.s32 @!p0 $0x88, s6;
	s7 =	simm.s32 @p2 $0x1082  }
0x22: {  	[simem:s7], [sflag:s8] =	dma.local @!p0 [hbm:s6], $0xF7A  }
0x23: {  	s9 =	sor.u32 $0xD0000000, s2;
	s6 =	simm.s32 $0x108;
	_ =	swait.ge @!p0 [sflag:s8], $0x0  }
0x24: {  	s3 =	sadd.s32 $0x88, s3;
	s6 =	simm.s32 @!p1 $0x1082;
	[sflag:s4] =	ssyncset.s32 $0xFFFFF086  }
0x25: {  	[simem:s6], [sflag:s4] =	dma.local [hbm:s3], $0xF7A  }
0x26: {  	[smem:$0x3F9F] =	sst s1;
	(tag) =	ssettag s2;
	_ =	strace s9  }
0x27: {  	s1 =	sld [smem:$0x3FAF]  }
0x28: {  	s2 =	sld [smem:$0x3FB0]  }
0x29: {  	s4 =	sld [smem:$0x3FB2]  }
0x2a: {  	p0 =	seq.s32 s5, $0x0;
	s5 =	sld [smem:$0x3FB3]  }
0x2b: {  	s6 =	sld [smem:$0x3FB4]  }
0x2c: {  	s7 =	sld [smem:$0x3FB5]  }
0x2d: {  	s3 =	simm.s32 $0x108;
	s8 =	sld [smem:$0x3FB6]  }
0x2e: {  	s3 =	simm.s32 @!p0 $0x1082;
	s9 =	sld [smem:$0x3FB7]  }
0x2f: {  	lr =	sadd.s32 s0, s3;
	s0 =	sld [smem:$0x3FAE]  }
0x30: {  	s3 =	sld [smem:$0x3FB1]  }
0x31: {  	[smem:$0x3FBA] =	sst s10  }
0x32: {  	s10 =	sld [smem:$0x3FB8];
	_ =	sdelay $0x3  }
0x33: {  	p0 =	seq.s32 s10, $0x1;
	s10 =	sld [smem:$0x3FBA];
	_ =	sdelay $0x3  }
0x34: {  	[smem:$0x3FBA] =	sst s10  }
0x35: {  	s10 =	sld [smem:$0x3FB9];
	_ =	sdelay $0x3  }
0x36: {  	p1 =	seq.s32 s10, $0x1;
	s10 =	sld [smem:$0x3FBA];
	_ =	sdelay $0x3  }
0x37: {  	[smem:$0x3FBA] =	sst s10  }
0x38: {  	s10 =	sld [smem:$0x3FBB]  }
0x39: {  	_ = 	snop;
	(pc) =	sbr.ind lr, $3  }
0x3a: {  	_ = 	snop  }
0x3b: {  	_ = 	snop  }
0x3c: {  	p2 =	seq.s32 s10, $0x1;
	s10 =	sld [smem:$0x3FBA]  }
0x3d: {  	_ =	shalt  }
0x3e: {  	_ =	shalt  }
0x3f: {  	_ =	shalt  }
0x40: {  	_ =	shalt  }
0x41: {  	_ =	shalt  }
0x42: {  	_ =	shalt  }
0x43: {  	_ =	shalt  }
0x44: {  	_ =	shalt  }
0x45: {  	_ =	shalt  }
0x46: {  	_ =	shalt  }
0x47: {  	_ =	shalt  }
0x48: {  	_ =	shalt  }
0x49: {  	_ =	shalt  }
0x4a: {  	_ =	shalt  }
0x4b: {  	_ =	shalt  }
0x4c: {  	_ =	shalt  }
0x4d: {  	_ =	shalt  }
0x4e: {  	_ =	shalt  }
0x4f: {  	_ =	shalt  }
0x50: {  	_ =	shalt  }
0x51: {  	_ =	shalt  }
0x52: {  	_ =	shalt  }
0x53: {  	_ =	shalt  }
0x54: {  	_ =	shalt  }
0x55: {  	_ =	shalt  }
0x56: {  	_ =	shalt  }
0x57: {  	_ =	shalt  }
0x58: {  	_ =	shalt  }
0x59: {  	_ =	shalt  }
0x5a: {  	_ =	shalt  }
0x5b: {  	_ =	shalt  }
0x5c: {  	_ =	shalt  }
0x5d: {  	_ =	shalt  }
0x5e: {  	_ =	shalt  }
0x5f: {  	_ =	shalt  }
0x60: {  	_ =	shalt  }
0x61: {  	_ =	shalt  }
0x62: {  	_ =	shalt  }
0x63: {  	_ =	shalt  }
0x64: {  	_ =	shalt  }
0x65: {  	_ =	shalt  }
0x66: {  	_ =	shalt  }
0x67: {  	_ =	shalt  }
0x68: {  	_ =	shalt  }
0x69: {  	_ =	shalt  }
0x6a: {  	_ =	shalt  }
0x6b: {  	_ =	shalt  }
0x6c: {  	_ =	shalt  }
0x6d: {  	_ =	shalt  }
0x6e: {  	_ =	shalt  }
0x6f: {  	_ =	shalt  }
0x70: {  	_ =	shalt  }
0x71: {  	_ =	shalt  }
0x72: {  	_ =	shalt  }
0x73: {  	_ =	shalt  }
0x74: {  	_ =	shalt  }
0x75: {  	_ =	shalt  }
0x76: {  	_ =	shalt  }
0x77: {  	_ =	shalt  }
0x78: {  	_ =	shalt  }
0x79: {  	_ =	shalt  }
0x7a: {  	_ =	shalt  }
0x7b: {  	_ =	shalt  }
0x7c: {  	_ =	shalt  }
0x7d: {  	_ =	shalt  }
0x7e: {  	_ =	shalt  }
0x7f: {  	_ =	shalt  }
0x80: {  	_ =	shalt  }
0x81: {  	_ =	shalt  }
0x82: {  	_ =	shalt  }
0x83: {  	_ =	shalt  }
0x84: {  	_ =	shalt  }
0x85: {  	_ =	shalt  }
0x86: {  	_ =	shalt  }
0x87: {  	_ =	shalt  }
.Lfunc_end0:
.L_simem_size_0:
called_computation_lowered:
.L_overlay_start_0:
0x88: {  	s2 =	sld [smem:$0x3FD9]  }
0x89: {  	s3 =	sld [smem:$0x3FFE];
	_ =	sdelay $0x1  }
0x8a: {  	s1 =	srdreg.scid  }
0x8b: {  	s0 =	sand.u32 $0x1, s1  }
0x8c: {  	s18 =	sshll.u32 s0, $0xA;
	s2 =	sadd.s32 s3, s2  }
0x8d: {  	s2 =	sadd.s32 s2, s18  }
0x8e: {  	[smem:$0x3FC6] =	sst s2  }
0x8f: {  	_ = 	snop  }
0x90: {  	s2 =	sld [smem:$0x3FC9]  }
0x91: {  	s19 =	sld [smem:$0x3FC8]  }
0x92: {  	s4 =	sld [smem:$0x3FD0];
	(tm) =	ssettm $0x1  }
0x93: {  	s5 =	sld [smem:$0x3FFB];
	_ =	sdelay $0x3  }
0x94: {  	_ =	strace s5  }
0x95: {  	s5 =	sld [smem:$0x3FFC];
	_ =	sdelay $0x3  }
0x96: {  	_ =	strace s5  }
0x97: {  	s5 =	sld [smem:$0x3FFD];
	_ =	sdelay $0x3  }
0x98: {  	_ =	strace s5  }
0x99: {  	_ =	strace $0x8FFFFFFF  }
0x9a: {  	s20 =	sld [smem:$0x3FDB];
	_ =	sdelay $0x1  }
0x9b: {  	s6 =	simm.s32 $_scs_section_size  }
0x9c: {  	s7 =	simm.s32 $_size__tile_overlayer_lowered;
	s8 =	simm.s32 $_tile_overlayer_lowered  }
0x9d: {  	s23 =	simm.s32 $0x1BFF;
	s22 =	sshll.u32 s8, $0x1;
	s5 =	sadd.s32 s6, s20  }
0x9e: {  	s9 =	simm.s32 $0x0;
	s21 =	sshll.u32 s7, $0x1;
	s7 =	sadd.s32 s22, s5  }
0x9f: {  	[timem:s9], [sflag:s23] =	dma.local [hbm:s7], s21  }
0xa0: {  	_ =	swait.ge [sflag:s23], s21  }
0xa1: {  	s6 =	ssub.s32 $0x0, s21;
	[sflag:s23] =	ssyncset.done $0x0  }
0xa2: {  	[sflag:s23] =	ssyncadd.s32 s6;
	_ =	sdelay $0x1  }
0xa3: {  	s24 =	simm.s32 $0x1B8B  }
0xa4: {  	_ =	swait.ge [sflag:s24], $0x1  }
0xa5: {  	[sflag:s24] =	ssyncset.done $0x0  }
0xa6: {  	s25 =	simm.s32 $0x1B8E;
	[sflag:s24] =	ssyncadd.s32 $0xFFFFFFFF  }
0xa7: {  	s26 =	simm.s32 $execute0_lowered;
	[smem:$0x3FD2] =	sst s25  }
0xa8: {  	s6 =	sshll.u32 s26, $0x1;
	_ =	strace $0x80000046;
	[dreg:$0x1] =	wrdreg $0xFFFFFFFF  }
0xa9: {  	s28 =	simm.s32 $_size_execute0_lowered;
	s5 =	sadd.s32 s5, s6;
	[dreg:$0x0] =	wrdreg $0x0  }
0xaa: {  	s6 =	sshll.u32 s28, $0x1;
	[dreg:$0x2] =	wrdreg s5  }
0xab: {  	[dreg:$0x3] =	wrdreg s6  }
0xac: {  	[dreg:$0x4] =	wrdreg $0xC0  }
0xad: {  	_ =	task [dreg:s9], $0x5FFFF  }
0xae: {  	[dreg:$0x1] =	wrdreg $0xFFFFFFFF  }
0xaf: {  	[dreg:$0x0] =	wrdreg $0x60  }
0xb0: {  	[dreg:$0x2] =	wrdreg s2  }
0xb1: {  	[dreg:$0x3] =	wrdreg s19  }
0xb2: {  	[dreg:$0x4] =	wrdreg s4  }
0xb3: {  	[dreg:$0x5] =	wrdreg $0x9  }
0xb4: {  	_ =	task.clear_ibuf [dreg:s9], $0x6FFFF;
	_ =	strace $0x90000046  }
0xb5: {  	s29 =	simm.s32 $0x9;
	_ =	strace $0x80000048  }
0xb6: {  	_ =	swait.ge [sflag:s29], $0x1  }
0xb7: {  	[sflag:s29] =	ssyncadd.s32 $0xFFFFFFFF  }
0xb8: {  	_ =	strace $0x90000048  }
0xb9: {  	_ =	sfence  }
0xba: {  	s30 =	sld [smem:$0x0];
	_ =	sdelay $0x2  }
0xbb: {  	s31 =	sshll.u32 s1, $0xD;
	s1 =	sshrl.u32 s1, $0x2  }
0xbc: {  	s3 =	sand.u32 $0x4000, s31;
	s1 =	sadd.s32 s1, s30  }
0xbd: {  	s0 =	sor.u32 s3, s0;
	s1 =	sshll.u32 s1, $0x11  }
0xbe: {  	s0 =	sor.u32 s1, s0  }
0xbf: {  	s0 =	sadd.s32 $0x8F2B, s0  }
0xc0: {  	[sflag:s0] =	ssyncadd.remote.s32 $0x1  }
0xc1: {  	_ =	sfence.sel $0xFFFF  }
0xc2: {  	[dreg:$0x0] =	wrdreg $0xFFFFFFFF;
	(pc) =	sbr.abs _section_cstart, $3  }
0xc3: {  	[dreg:$0x1] =	wrdreg $0xFFFFFFFF  }
0xc4: {  	_ =	task.clear_ibuf [dreg:s9], $0x2FFFF;
	_ =	strace $0x9FFFFFFF  }
0xc5: {  	(tm) =	ssettm $0x7FFFFFFF  }
tec
execute0_lowered:
.L_overlay_start_1:
0x0: {  	(tag) =	ssettag $0x1  }
0x1: {  	s4 =	rddreg [dreg:$0x0]  }
0x2: {  	s1 =	rddreg [dreg:$0x1]  }
0x3: {  	s5 =	rddreg [dreg:$0x2];
	s2 =	simm.s32 $0x0  }
0x4: {  	s3 =	srdreg.scid;
	s0 =	stileid.u32;
	s11 =	simm.s32 $0x3  }
0x5: {  	s12 =	simm.s32 $0x80;
	s13 =	simm.s32 $0x1C00;
	s14 =	simm.s32 $0x5C00  }
0x6: {  	s15 =	simm.s32 $0x100;
	s16 =	simm.s32 $0x9C00;
	s17 =	simm.s32 $0x1  }
0x7: {  	s18 =	simm.s32 $0x2;
	s19 =	simm.s32 $0x0;
	[smem:$0x7FF] =	sst s2  }
0x8: {  	s6 =	sand.u32 $0x1, s3;
	s9 =	sshll.u32 s0, $0x8;
	s29 =	sshll.u32 s0, $0xC  }
0x9: {  	_ =	strace $0x80000047;
	s7 =	ssub.s32 $0x2, s6;
	s10 =	sshll.u32 s6, $0x7  }
0xa: {  	s30 =	sadd.s32 s29, s5;
	s31 =	sshll.u32 s6, $0xB;
	s8 =	sshrl.u32 s7, $0x1  }
0xb: {  	s28 =	sor.u32 s10, s9;
	s9 =	simm.s32 $0x8000;
	s10 =	simm.s32 $0x1800  }
0xc: {  	s7 =	ssub.s32 s7, s8;
	s4 =	sadd.s32 s4, s28;
	s8 =	simm.s32 $0x400  }
0xd: {  	s5 =	sadd.s32 $0x6000, s4;
	s6 =	smax.u32 s7, $0x1;
	s7 =	sadd.s32 s31, s30  }
.LBB2_1:
0xe: {  	[tilespmem:s2], [sflag:$0x3] =	stream.strided.gather [hbm4b:s4+s8], $0x1800, s9, s8, $0x38;
	[tilespmem:$0x1DC00] =	vst v63  }
0xf: {  	s20 =	smul.u32 $0x25, s2  }
0x10: {  	[tilespmem:s10], [sflag:$0x3] =	stream.linear.gather [hbm4b:s5+s2], $0x100, $0x38;
	[tilespmem:$0x1DC00] =	vst v63  }
0x11: {  	s21 =	simm.s32 $0x3;
	p0 =	por $0x0, $0x0;
	s20 =	sshrl.u32 s20, $0x8  }
0x12: {  	s21 =	smul.u32 @!p0 $0x25, s21;
	_ =	swait.ge [sflag:s11], $0x1900;
	s22 =	ssub.s32 $0x0, s20  }
0x13: {  	[sflag:s11] =	ssyncset.done $0x0;
	s22 =	sand.u32 $0xFE, s22  }
0x14: {  	s21 =	sshrl.u32 @!p0 s21, $0x8;
	[sflag:s11] =	ssyncadd.s32 $0xFFFFE700;
	s22 =	sshrl.u32 s22, $0x1  }
0x15: {  	[tilespmem:s13], [sflag:$0x1] =	stream.indirect.gather [hbm4b:s1+s12], $0x80, s2, s12, $0xb8;
	[tilespmem:$0x1DC00] =	vst v63  }
0x16: {  	s20 =	sadd.s32 s20, s22;
	s22 =	ssub.s32 @!p0 $0x3, s21  }
0x17: {  	s20 =	sand.u32 $0xFC, s20;
	s22 =	sand.u32 @!p0 $0xFE, s22  }
0x18: {  	[tilespmem:s14], [sflag:$0x1] =	stream.indirect.gather [hbm4b:s1+s12], $0x80, s12, s12, $0xb8;
	[tilespmem:$0x1DC00] =	vst v63  }
0x19: {  	s20 =	sshrl.u32 s20, $0x2;
	s22 =	sshrl.u32 @!p0 s22, $0x1  }
0x1a: {  	s23 =	smul.u32 $0x7, s20;
	s22 =	sadd.s32 @!p0 s21, s22  }
0x1b: {  	[tilespmem:s16], [sflag:$0x1] =	stream.indirect.gather [hbm4b:s1+s12], $0x80, s15, s12, $0xb8;
	[tilespmem:$0x1DC00] =	vst v63  }
0x1c: {  	s24 =	simm.s32 $0x2;
	p1 =	por @!p0 $0x1, $0x1;
	s22 =	sand.u32 @!p0 $0xFC, s22  }
0x1d: {  	p1 =	por p1, p0;
	s23 =	ssub.s32 $0x0, s23;
	s22 =	sshrl.u32 @!p0 s22, $0x2  }
0x1e: {  	_ =	swait.ge [sflag:s17], $0x4000;
	s23 =	sand.u32 $0xFF, s23;
	s22 =	smul.u32 @!p0 $0x7, s22  }
0x1f: {  	s20 =	simm.s32 $0x180;
	[sflag:s17] =	ssyncset.done $0x0;
	s23 =	sshll.u32 s23, $0xE  }
0x20: {  	[sflag:s17] =	ssyncadd.s32 $0xFFFFC000;
	s25 =	ssub.s32 @!p0 $0x3, s22;
	s31 =	sor.u32 $0x1C00, s23  }
0x21: {  	[hbm4b:s7+s2] =	stream.linear.scatter [tilespmem:s31], [sflag:$0x2], $0x4000, $0x38;
	[tilespmem:$0x1DC00] =	vst v63  }
0x22: {  	s21 =	simm.s32 $0x1;
	s22 =	sadd.s32 $0x10000, s7;
	s26 =	sand.u32 @!p0 $0xFF, s25  }
0x23: {  	s23 =	simm.s32 @!p1 $0x2;
	s25 =	smul.u32 $0x25, s21;
	s26 =	sshll.u32 @!p0 s26, $0xE  }
.LBB2_2:
0x24: {  	s26 =	sor.u32 @!p0 $0x1C00, s26;
	s28 =	smov.u32 s21  }
0x25: {  	s21 =	smov.u32 s24;
	s24 =	sadd.s32 $0x1, s24;
	s29 =	smov.u32 s20  }
0x26: {  	s20 =	sadd.s32 $0x80, s20;
	p3 =	por p0, p0;
	p4 =	por p1, p1  }
0x27: {  	s25 =	sshrl.u32 s25, $0x8;
	s30 =	smov.u32 s22;
	p2 =	sne.s32 s24, $0x32  }
0x28: {  	s31 =	ssub.s32 s28, s25;
	s0 =	sadd.s32 $0x3, s28;
	p0 =	sgt.u32 s28, $0x2E  }
0x29: {  	s31 =	sand.u32 $0xFE, s31;
	p1 =	slt.u32 @!p0 s28, $0x4;
	s3 =	smul.u32 @!p0 $0x25, s0  }
0x2a: {  	s31 =	sshrl.u32 s31, $0x1;
	p1 =	por p1, p0  }
0x2b: {  	s25 =	sadd.s32 s25, s31;
	s3 =	sshrl.u32 @!p0 s3, $0x8  }
0x2c: {  	s25 =	sand.u32 $0xFC, s25;
	s31 =	ssub.s32 @!p0 s0, s3  }
0x2d: {  	s25 =	sshrl.u32 s25, $0x2;
	s31 =	sand.u32 @!p0 $0xFE, s31  }
0x2e: {  	s25 =	smul.u32 $0x7, s25;
	s31 =	sshrl.u32 @!p0 s31, $0x1  }
0x2f: {  	s3 =	sadd.s32 @!p0 s3, s31;
	s31 =	simm.s32 @!p3 $0x80;
	_ =	swait.ge @!p4 [sflag:s23], $0x4000  }
0x30: {  	s25 =	ssub.s32 s28, s25;
	s3 =	sand.u32 @!p0 $0xFC, s3;
	[sflag:s23] =	ssyncset.done @!p4 $0x0  }
0x31: {  	s25 =	sand.u32 $0xFF, s25;
	s3 =	sshrl.u32 @!p0 s3, $0x2;
	[sflag:s23] =	ssyncadd.s32 @!p4 $0xFFFFC000  }
0x32: {  	s22 =	sadd.s32 $0x10000, s22;
	s28 =	sshll.u32 s25, $0xE;
	s3 =	smul.u32 @!p0 $0x7, s3  }
0x33: {  	[tilespmem:s26], [sflag:$0x1] =	stream.indirect.gather @!p3 [hbm4b:s1+s31], $0x80, s29, s31, $0xb8;
	[tilespmem:$0x1DC00] =	vst v63  }
.Ltmp0:
0x34: {  	_ = 	snop;
	(pc) =	sbr.rel @p2 .LBB2_2-.Ltmp0, $4  }
0x35: {  	s23 =	simm.s32 @!p1 $0x2;
	s0 =	ssub.s32 @!p0 s0, s3;
	_ =	swait.ge [sflag:s17], $0x4000  }
0x36: {  	s25 =	smul.u32 $0x25, s21;
	s0 =	sand.u32 @!p0 $0xFF, s0;
	[sflag:s17] =	ssyncset.done $0x0  }
0x37: {  	s3 =	sor.u32 $0x1C00, s28;
	s26 =	sshll.u32 @!p0 s0, $0xE;
	[sflag:s17] =	ssyncadd.s32 $0xFFFFC000  }
0x38: {  	[hbm4b:s30+s2] =	stream.linear.scatter [tilespmem:s3], [sflag:$0x2], $0x4000, $0x38;
	[tilespmem:$0x1DC00] =	vst v63  }
0x39: {  	s0 =	sshrl.u32 s25, $0x8  }
0x3a: {  	s3 =	ssub.s32 s21, s0  }
0x3b: {  	s24 =	sadd.s32 $0x3, s21;
	p2 =	sgt.u32 s21, $0x2E;
	s3 =	sand.u32 $0xFE, s3  }
0x3c: {  	s26 =	sor.u32 @!p0 $0x1C00, s26;
	s25 =	smul.u32 @!p2 $0x25, s24;
	s3 =	sshrl.u32 s3, $0x1  }
0x3d: {  	p3 =	por p0, p0;
	p1 =	por p1, p1;
	s0 =	sadd.s32 s0, s3  }
0x3e: {  	p0 =	slt.u32 @!p2 s21, $0x4;
	s3 =	sshrl.u32 @!p2 s25, $0x8;
	s0 =	sand.u32 $0xFC, s0  }
0x3f: {  	_ =	swait.ge @!p1 [sflag:s23], $0x4000;
	s25 =	ssub.s32 @!p2 s24, s3;
	s0 =	sshrl.u32 s0, $0x2  }
0x40: {  	[sflag:s23] =	ssyncset.done @!p1 $0x0;
	s25 =	sand.u32 @!p2 $0xFE, s25;
	s0 =	smul.u32 $0x7, s0  }
0x41: {  	p0 =	por p0, p2;
	[sflag:s23] =	ssyncadd.s32 @!p1 $0xFFFFC000;
	s25 =	sshrl.u32 @!p2 s25, $0x1  }
0x42: {  	s3 =	sadd.s32 @!p2 s3, s25;
	s25 =	simm.s32 @!p3 $0x80;
	s0 =	ssub.s32 s21, s0  }
0x43: {  	[tilespmem:s26], [sflag:$0x1] =	stream.indirect.gather @!p3 [hbm4b:s1+s25], $0x80, s20, s25, $0xb8;
	[tilespmem:$0x1DC00] =	vst v63  }
0x44: {  	s3 =	sand.u32 @!p2 $0xFC, s3;
	s0 =	sand.u32 $0xFF, s0;
	_ =	swait.ge [sflag:s17], $0x4000  }
0x45: {  	s3 =	sshrl.u32 @!p2 s3, $0x2;
	s0 =	sshll.u32 s0, $0xE;
	[sflag:s17] =	ssyncset.done $0x0  }
0x46: {  	s3 =	smul.u32 @!p2 $0x7, s3;
	[sflag:s17] =	ssyncadd.s32 $0xFFFFC000;
	s0 =	sor.u32 $0x1C00, s0  }
0x47: {  	[hbm4b:s22+s2] =	stream.linear.scatter [tilespmem:s0], [sflag:$0x2], $0x4000, $0x38;
	[tilespmem:$0x1DC00] =	vst v63  }
0x48: {  	s0 =	simm.s32 @!p0 $0x2;
	s3 =	ssub.s32 @!p2 s24, s3;
	p0 =	por p0, p0  }
0x49: {  	p1 =	por p2, p2;
	s3 =	sand.u32 @!p2 $0xFF, s3;
	_ =	swait.ge @!p0 [sflag:s0], $0x4000  }
0x4a: {  	s20 =	sadd.s32 $0x80, s20;
	s3 =	sshll.u32 @!p2 s3, $0xE;
	[sflag:s0] =	ssyncset.done @!p0 $0x0  }
0x4b: {  	s21 =	simm.s32 @!p1 $0x80;
	s3 =	sor.u32 @!p2 $0x1C00, s3;
	[sflag:s0] =	ssyncadd.s32 @!p0 $0xFFFFC000  }
0x4c: {  	[tilespmem:s3], [sflag:$0x1] =	stream.indirect.gather @!p1 [hbm4b:s1+s21], $0x80, s20, s21, $0xb8;
	[tilespmem:$0x1DC00] =	vst v63  }
0x4d: {  	_ =	swait.ge [sflag:s18], $0x4000  }
0x4e: {  	[sflag:s18] =	ssyncset.done $0x0  }
0x4f: {  	[sflag:s18] =	ssyncadd.s32 $0xFFFFC000  }
0x50: {  	_ =	swait.ge [sflag:s18], $0x4000  }
0x51: {  	[sflag:s18] =	ssyncset.done $0x0  }
0x52: {  	[sflag:s18] =	ssyncadd.s32 $0xFFFFC000  }
0x53: {  	_ =	swait.ge [sflag:s18], $0x4000  }
0x54: {  	[sflag:s18] =	ssyncset.done $0x0  }
0x55: {  	[sflag:s18] =	ssyncadd.s32 $0xFFFFC000  }
0x56: {  	_ =	swait.ge [sflag:s18], $0x4000  }
0x57: {  	[sflag:s18] =	ssyncset.done $0x0  }
0x58: {  	[sflag:s18] =	ssyncadd.s32 $0xFFFFC000  }
0x59: {  	_ =	swait.ge [sflag:s18], $0x4000  }
0x5a: {  	[sflag:s18] =	ssyncset.done $0x0  }
0x5b: {  	s19 =	sadd.s32 $0x1, s19;
	[sflag:s18] =	ssyncadd.s32 $0xFFFFC000  }
0x5c: {  	p0 =	sne.s32 s19, s6;
	_ =	swait.ge [sflag:s18], $0x4000  }
.Ltmp1:
0x5d: {  	[sflag:s18] =	ssyncset.done $0x0;
	(pc) =	sbr.rel @p0 .LBB2_1-.Ltmp1, $4  }
0x5e: {  	[sflag:s18] =	ssyncadd.s32 $0xFFFFC000  }
0x5f: {  	_ =	swait.ge [sflag:s18], $0x4000  }
0x60: {  	[sflag:s18] =	ssyncset.done $0x0  }
0x61: {  	[sflag:s18] =	ssyncadd.s32 $0xFFFFC000  }
0x62: {  	_ =	sfence.sel $0x180000  }
0x63: {  	[bflag:$0x0] =	sbarrier.arrive $0xFFFF  }
0x64: {  	_ =	strace $0x90000047  }
0x65: {  	s0 =	stileid.u32;
	[bflag:$0x2] =	sbarrier.arrive $0xFFFF  }
0x66: {  	p0 =	sne.s32 s0, $0x0;
	s0 =	rddreg [dreg:$0x3]  }
0x67: {  	s0 =	sadd.s32 @!p0 $0x100000, s0  }
0x68: {  	[sflag:s0] =	ssyncadd.tile.s32 @!p0 $0x1;
	_ =	shalt  }
.Lfunc_end2:
_tile_overlayer_lowered:
.L_overlay_start_2:
0x69: {  	(tag) =	ssettag $0x2  }
0x6a: {  	s0 =	rddreg [dreg:$0x0];
	s2 =	stileid.u32  }
0x6b: {  	s1 =	rddreg [dreg:$0x1];
	p0 =	sne.s32 s2, $0x0  }
0x6c: {  	s3 =	rddreg [dreg:$0x2];
	[bflag:$0x3] =	sbarrier.arrive $0xFFFF;
	s2 =	simm.s32 @!p0 $0x1C03  }
0x6d: {  	[timem:s3], [sflag:s2] =	dma.local @!p0 [hbm:s0], s1  }
0x6e: {  	s0 =	simm.s32 @!p0 $0x3  }
0x6f: {  	_ =	swait.ge @!p0 [sflag:s0], s1  }
0x70: {  	s1 =	ssub.s32 @!p0 $0x0, s1;
	[sflag:s0] =	ssyncset.done @!p0 $0x0  }
0x71: {  	[sflag:s0] =	ssyncadd.s32 @!p0 s1  }
0x72: {  	[bflag:$0x3] =	sbarrier.arrive $0xFFFF  }
0x73: {  	_ =	shalt  }

</sc_bundles>
